<compile_context>
chip_gen: v7x
topology: tpu7x:2x2x1
jax: 0.10.2.dev20260603
libtpu: 0.0.44.dev20260713+nightly
codegen_flags: <defaults>
</compile_context>

<pallas_src>
import math
import functools

import jax
import jax.numpy as jnp
from jax import lax
from jax.experimental import pallas as pl
from jax.experimental.pallas import tpu as pltpu
from jax.experimental.pallas import tpu_sc as plsc

_N = 10000
_E = 320000
_D = 128
_TOPK = int(math.log(_N))

_NC = 2
_NS = 16
_NW = _NC * _NS
_B = 128
_CHUNKS = 80
_EW = _B * _CHUNKS
_EPAD = _NW * _EW
_NPAD = 10112
_RPT = _NPAD // _NS


def _mp_body(y_hbm, src_hbm, dst_hbm, zero_hbm, out_hbm,
             sidx0, didx0, rows0, sidx1, didx1, rows1, acc, gsem0, gsem1):
    cid = lax.axis_index("c")
    sid = lax.axis_index("s")
    wid = sid * _NC + cid
    base = wid * _EW

    pltpu.sync_copy(zero_hbm.at[pl.ds(0, _RPT)],
                    acc.at[pl.ds(sid * _RPT, _RPT)])
    pltpu.sync_copy(src_hbm.at[pl.ds(base, _B)], sidx0)
    pltpu.sync_copy(dst_hbm.at[pl.ds(base, _B)], didx0)
    pltpu.async_copy(y_hbm.at[sidx0], rows0, gsem0)
    plsc.subcore_barrier()

    def pair(i, carry):
        off = base + 2 * i * _B
        pltpu.sync_copy(src_hbm.at[pl.ds(off + _B, _B)], sidx1)
        pltpu.sync_copy(dst_hbm.at[pl.ds(off + _B, _B)], didx1)
        pltpu.async_copy(y_hbm.at[sidx1], rows1, gsem1)
        pltpu.make_async_copy(y_hbm.at[pl.ds(0, _B)], rows0, gsem0).wait()
        pltpu.sync_copy(rows0, acc.at[didx0], add=True)

        @pl.when(2 * i + 2 < _CHUNKS)
        def _():
            pltpu.sync_copy(src_hbm.at[pl.ds(off + 2 * _B, _B)], sidx0)
            pltpu.sync_copy(dst_hbm.at[pl.ds(off + 2 * _B, _B)], didx0)
            pltpu.async_copy(y_hbm.at[sidx0], rows0, gsem0)

        pltpu.make_async_copy(y_hbm.at[pl.ds(0, _B)], rows1, gsem1).wait()
        pltpu.sync_copy(rows1, acc.at[didx1], add=True)
        return carry

    lax.fori_loop(0, _CHUNKS // 2, pair, 0)
    plsc.subcore_barrier()
    pltpu.sync_copy(acc.at[pl.ds(sid * _RPT, _RPT)],
                    out_hbm.at[cid, pl.ds(sid * _RPT, _RPT)])


@jax.jit
def _mp_sc(y, src_r, dst_r, zero_rows):
    mesh = plsc.VectorSubcoreMesh(core_axis_name="c", subcore_axis_name="s")
    return pl.kernel(
        _mp_body,
        out_type=jax.ShapeDtypeStruct((_NC, _NPAD, _D), jnp.float32),
        mesh=mesh,
        scratch_types=[
            pltpu.VMEM((_B,), jnp.int32),
            pltpu.VMEM((_B,), jnp.int32),
            pltpu.VMEM((_B, _D), jnp.float32),
            pltpu.VMEM((_B,), jnp.int32),
            pltpu.VMEM((_B,), jnp.int32),
            pltpu.VMEM((_B, _D), jnp.float32),
            pltpu.VMEM_SHARED((_NPAD, _D), jnp.float32),
            pltpu.SemaphoreType.DMA,
            pltpu.SemaphoreType.DMA,
        ],
    )(y, src_r, dst_r, zero_rows)


def _dense_body(x_ref, w_ref, b_ref, s_ref, o_ref):
    acc = jnp.dot(x_ref[...], w_ref[...], preferred_element_type=jnp.float32)
    o_ref[...] = (acc + b_ref[...]) * s_ref[...]


def _dense(x, W, b, rowscale=None):
    n, d = x.shape
    d2 = W.shape[1]
    blk = 2000
    if rowscale is None:
        rowscale = jnp.ones((n, 1), jnp.float32)
    return pl.pallas_call(
        _dense_body,
        grid=(n // blk,),
        in_specs=[
            pl.BlockSpec((blk, d), lambda i: (i, 0)),
            pl.BlockSpec((d, d2), lambda i: (0, 0)),
            pl.BlockSpec((d2,), lambda i: (0,)),
            pl.BlockSpec((blk, 1), lambda i: (i, 0)),
        ],
        out_specs=pl.BlockSpec((blk, d2), lambda i: (i, 0)),
        out_shape=jax.ShapeDtypeStruct((n, d2), jnp.float32),
    )(x, W, b, rowscale)


def _combine_body(p_ref, nd_ref, b_ref, o_ref, *, act):
    h = (p_ref[0] + p_ref[1]) * nd_ref[...] + b_ref[...]
    if act:
        h = jnp.maximum(h, 0.0)
    o_ref[...] = h


def _combine(partials, norm_dst2d, b, act):
    blk = 2000
    return pl.pallas_call(
        functools.partial(_combine_body, act=act),
        grid=(_N // blk,),
        in_specs=[
            pl.BlockSpec((2, blk, _D), lambda i: (0, i, 0)),
            pl.BlockSpec((blk, 1), lambda i: (i, 0)),
            pl.BlockSpec((_D,), lambda i: (0,)),
        ],
        out_specs=pl.BlockSpec((blk, _D), lambda i: (i, 0)),
        out_shape=jax.ShapeDtypeStruct((_N, _D), jnp.float32),
    )(partials, norm_dst2d, b)


_CT = 2048
_CC = 128
_CJ = 5
_CU = 80
_LP = 10240


def _corr_body(q2_ref, k_ref, o_ref, m_ref):
    jid = pl.program_id(0)
    m_ref[...] = jnp.zeros_like(m_ref)

    def body(u, carry):
        start = jid * _CT + u * _CC
        a = q2_ref[pl.ds(start, _CT + _CC), :]
        b = k_ref[pl.ds(u * _CC, _CC), :]
        m_ref[...] += jax.lax.dot_general(
            a, b, (((1,), (1,)), ((), ())), preferred_element_type=jnp.float32)
        return carry

    lax.fori_loop(0, _CU, body, 0)
    M = m_ref[...]
    col = lax.broadcasted_iota(jnp.int32, (_CT + _CC, _CC), 1)
    for kbit in range(7):
        s = 1 << kbit
        rolled = jnp.concatenate([M[s:], M[:s]], axis=0)
        M = jnp.where((col & s) != 0, rolled, M)
    o_ref[...] = jnp.sum(M[:_CT], axis=1)


def _circ_corr(q, k):
    q2 = jnp.concatenate([q, q, q[:2 * _LP - 2 * _N]], axis=0)
    kp = jnp.concatenate([k, jnp.zeros((_LP - _N, _D), jnp.float32)], axis=0)
    out = pl.pallas_call(
        _corr_body,
        grid=(_CJ,),
        in_specs=[
            pl.BlockSpec((2 * _LP, _D), lambda j: (0, 0)),
            pl.BlockSpec((_LP, _D), lambda j: (0, 0)),
        ],
        out_specs=pl.BlockSpec((_CT,), lambda j: (j,)),
        out_shape=jax.ShapeDtypeStruct((_LP,), jnp.float32),
        scratch_shapes=[pltpu.VMEM((_CT + _CC, _CC), jnp.float32)],
    )(q2, kp)
    return out


def _topk_body(c_ref, w_ref, i_ref):
    x = c_ref[...]
    rows = lax.broadcasted_iota(jnp.int32, (_LP // _D, _D), 0)
    cols = lax.broadcasted_iota(jnp.int32, (_LP // _D, _D), 1)
    lin = rows * _D + cols
    neg = jnp.float32(-jnp.inf)
    x = jnp.where(lin < _N, x, neg)
    lane = lax.broadcasted_iota(jnp.int32, (1, _D), 1)
    wvec = jnp.zeros((1, _D), jnp.float32)
    ivec = jnp.zeros((1, _D), jnp.int32)
    for t in range(_TOPK):
        m = jnp.max(x)
        idx = jnp.min(jnp.where(x == m, lin, jnp.int32(1 << 30)))
        wvec = jnp.where(lane == t, m, wvec)
        ivec = jnp.where(lane == t, idx, ivec)
        x = jnp.where(lin == idx, neg, x)
    w_ref[...] = wvec
    i_ref[...] = ivec


def _topk(corr):
    c2 = corr.reshape(_LP // _D, _D)
    return pl.pallas_call(
        _topk_body,
        out_shape=[jax.ShapeDtypeStruct((1, _D), jnp.float32),
                   jax.ShapeDtypeStruct((1, _D), jnp.int32)],
    )(c2)


def _graph_conv(x, src_p, dst_p, zero_rows, W, b, norm_src2d, norm_dst2d, act):
    y = _dense(x, W, jnp.zeros_like(b), rowscale=norm_src2d)
    partials = _mp_sc(y, src_p, dst_p, zero_rows)
    return _combine(partials[:, :_N, :], norm_dst2d, b, act)


def kernel(node_feats, edge_index, W1, b1, Wq, bq, Wk, bk, Wv, bv, Wo, bo, W2, b2):
    src = edge_index[0]
    dst = edge_index[1]
    out_deg = jnp.bincount(src, length=_N).astype(jnp.float32)
    in_deg = jnp.bincount(dst, length=_N).astype(jnp.float32)
    norm_src2d = jnp.power(jnp.clip(out_deg, 1.0, None), -0.5)[:, None]
    norm_dst2d = jnp.power(jnp.clip(in_deg, 1.0, None), -0.5)[:, None]

    pad = _EPAD - _E
    pad_src = jnp.arange(pad, dtype=jnp.int32) % _N
    src_p = jnp.concatenate([src, pad_src])
    pad_dst = _N + (jnp.arange(pad, dtype=jnp.int32) % (_NPAD - _N))
    dst_p = jnp.concatenate([dst, pad_dst])
    zero_rows = jnp.zeros((_RPT, _D), jnp.float32)

    h = _graph_conv(node_feats, src_p, dst_p, zero_rows, W1, b1,
                    norm_src2d, norm_dst2d, True)

    q = _dense(h, Wq, bq)
    k = _dense(h, Wk, bk)
    v = _dense(h, Wv, bv)

    corr = _circ_corr(q, k)
    wv, iv = _topk(corr)
    tmp_corr = jax.nn.softmax(wv[0, :_TOPK] / _D)
    delay = iv[0, :_TOPK]

    v2 = jnp.concatenate([v, v], axis=0)
    agg = jnp.zeros_like(v)
    for i in range(_TOPK):
        agg = agg + lax.dynamic_slice(v2, (delay[i], 0), (_N, _D)) * tmp_corr[i]

    Wm = Wo @ W2
    bm = bo @ W2
    y2 = _dense(agg, Wm, bm, rowscale=norm_src2d)
    partials2 = _mp_sc(y2, src_p, dst_p, zero_rows)
    return _combine(partials2[:, :_N, :], norm_dst2d, b2, False)

# --- scband reference (transcript-rebuilt; emitter-appended) ---
"""Pipeline reference for scband-gatconv-22213570855008 (READ-ONLY COPY).

The authoritative reference and input builder live on the scoring server;
editing this copy changes nothing except your own understanding.
"""

import jax, jax.numpy as jnp
import numpy as np
import math

N = 10000
E = 320000
D = 128
H = 1
TOPK = int(math.log(N))  # factor=1 -> int(log(L)) = 9


def graph_conv(x, src, dst, W, b, n_nodes, activation):
    # DGL GraphConv with norm='both', allow_zero_in_degree=True
    out_deg = jnp.bincount(src, length=n_nodes).astype(jnp.float32)
    in_deg = jnp.bincount(dst, length=n_nodes).astype(jnp.float32)
    norm_src = jnp.power(jnp.clip(out_deg, 1.0, None), -0.5)[:, None]
    norm_dst = jnp.power(jnp.clip(in_deg, 1.0, None), -0.5)[:, None]
    feat = x * norm_src
    feat = feat @ W
    msg = jnp.take(feat, src, axis=0)
    agg = jax.ops.segment_sum(msg, dst, num_segments=n_nodes)
    rst = agg * norm_dst + b
    if activation:
        rst = jax.nn.relu(rst)
    return rst


def auto_correlation(q, k, v):
    # q,k,v: [B, L, H, E]; inference-style time-delay aggregation
    B, L, Hh, Eh = q.shape
    qp = jnp.transpose(q, (0, 2, 3, 1))  # [B,H,E,L]
    kp = jnp.transpose(k, (0, 2, 3, 1))
    vp = jnp.transpose(v, (0, 2, 3, 1))
    q_fft = jnp.fft.rfft(qp, axis=-1)
    k_fft = jnp.fft.rfft(kp, axis=-1)
    corr = jnp.fft.irfft(q_fft * jnp.conj(k_fft), n=L, axis=-1)  # [B,H,E,L]
    mean_value = jnp.mean(jnp.mean(corr, axis=1), axis=1)  # [B, L]
    weights, delay = jax.lax.top_k(mean_value, TOPK)
    tmp_corr = jax.nn.softmax(weights, axis=-1)
    init_index = jnp.broadcast_to(jnp.arange(L)[None, None, None, :], vp.shape)
    tmp_values = jnp.concatenate([vp, vp], axis=-1)  # values.repeat(1,1,1,2)
    delays_agg = jnp.zeros_like(vp)
    for i in range(TOPK):
        tmp_delay = init_index + delay[:, i][:, None, None, None]
        pattern = jnp.take_along_axis(tmp_values, tmp_delay, axis=-1)
        delays_agg = delays_agg + pattern * tmp_corr[:, i][:, None, None, None]
    V = jnp.transpose(delays_agg, (0, 3, 1, 2))  # [B,L,H,E]
    return V


def setup_inputs(seed: int = 0):
    key = jax.random.key(seed)
    ks = jax.random.split(key, 16)
    node_feats = jax.random.normal(ks[0], (N, D), dtype=jnp.float32)
    edge_index = jax.random.randint(ks[1], (2, E), 0, N, dtype=jnp.int32)
    s = 0.05
    W1 = jax.random.normal(ks[2], (D, D), dtype=jnp.float32) * s
    b1 = jnp.zeros((D,), dtype=jnp.float32)
    Wq = jax.random.normal(ks[3], (D, D), dtype=jnp.float32) * s
    bq = jnp.zeros((D,), dtype=jnp.float32)
    Wk = jax.random.normal(ks[4], (D, D), dtype=jnp.float32) * s
    bk = jnp.zeros((D,), dtype=jnp.float32)
    Wv = jax.random.normal(ks[5], (D, D), dtype=jnp.float32) * s
    bv = jnp.zeros((D,), dtype=jnp.float32)
    Wo = jax.random.normal(ks[6], (D, D), dtype=jnp.float32) * s
    bo = jnp.zeros((D,), dtype=jnp.float32)
    W2 = jax.random.normal(ks[7], (D, D), dtype=jnp.float32) * s
    b2 = jnp.zeros((D,), dtype=jnp.float32)
    return {"node_feats": node_feats, "edge_index": edge_index, "W1": W1, "b1": b1,
            "Wq": Wq, "bq": bq, "Wk": Wk, "bk": bk, "Wv": Wv, "bv": bv,
            "Wo": Wo, "bo": bo, "W2": W2, "b2": b2}


def reference(node_feats, edge_index, W1, b1, Wq, bq, Wk, bk, Wv, bv, Wo, bo, W2, b2):
    src = edge_index[0]
    dst = edge_index[1]
    # layer1: GraphConv + relu
    h = graph_conv(node_feats, src, dst, W1, b1, N, activation=True)
    # AutoCorrelationLayer: queries = keys = values = h.unsqueeze(0)
    x = h[None, :, :]  # [1, N, D]
    q = (x @ Wq + bq).reshape(1, N, H, D // H)
    k = (x @ Wk + bk).reshape(1, N, H, D // H)
    v = (x @ Wv + bv).reshape(1, N, H, D // H)
    V = auto_correlation(q, k, v)
    out = V.reshape(1, N, D) @ Wo + bo
    h2 = out[0]
    # layer2: GraphConv (no activation)
    h2 = graph_conv(h2, src, dst, W2, b2, N, activation=False)
    return h2


if False:  # reference __main__ guard neutralized (emitter)
    inp = setup_inputs()
    out = reference(**inp)
    print(out.shape)

if __name__ == "__main__":
    import jax
    _d = setup_inputs()
    print(jax.jit(kernel)(*tuple(_d.values())))

</pallas_src>

<mosaic_0001>
#map = affine_map<(d0, d1) -> (0, 0)>
#map1 = affine_map<(d0, d1) -> (0)>
#map2 = affine_map<(d0, d1) -> (0, 0, 0)>
module attributes {stable_mosaic.version = 14 : i64} {
  func.func @_mp_body(%arg0: i32, %arg1: i32, %arg2: memref<10000x128xf32, #tpu.memory_space<hbm>>, %arg3: memref<327680xi32, #tpu.memory_space<hbm>>, %arg4: memref<327680xi32, #tpu.memory_space<hbm>>, %arg5: memref<632x128xf32, #tpu.memory_space<hbm>>, %arg6: memref<2x10112x128xf32, #tpu.memory_space<hbm>>, %arg7: memref<128xi32, #tpu.memory_space<vmem>>, %arg8: memref<128xi32, #tpu.memory_space<vmem>>, %arg9: memref<128x128xf32, #tpu.memory_space<vmem>>, %arg10: memref<128xi32, #tpu.memory_space<vmem>>, %arg11: memref<128xi32, #tpu.memory_space<vmem>>, %arg12: memref<128x128xf32, #tpu.memory_space<vmem>>, %arg13: memref<10112x128xf32, #tpu.memory_space<vmem_shared>>, %arg14: memref<!tpu.dma_semaphore, #tpu.memory_space<semaphore_mem>>, %arg15: memref<!tpu.dma_semaphore, #tpu.memory_space<semaphore_mem>>) attributes {dimension_semantics = [#tpu.dimension_semantics<core_parallel>, #tpu.dimension_semantics<subcore_parallel>], iteration_bounds = array<i64: 2, 16>, scalar_prefetch = 0 : i64, scratch_operands = 9 : i64, tpu.core_type = #tpu.core_type<sc_vector_subcore>, window_params = [{transform_indices = #map}, {transform_indices = #map1}, {transform_indices = #map1}, {transform_indices = #map}, {transform_indices = #map2}]} {
    %mul3A = arith.constant 2 : i32
    %mul3A_0 = arith.muli %arg1, %mul3A : i32
    %add3A = arith.addi %mul3A_0, %arg0 : i32
    %mul3A_1 = arith.constant 10240 : i32
    %mul3A_2 = arith.muli %add3A, %mul3A_1 : i32
    %mul3A_3 = arith.constant 632 : i32
    %mul3A_4 = arith.muli %arg1, %mul3A_3 : i32
    "tpu.region"() ({
      %run_scoped3A = tpu.sem_alloc : memref<!tpu.dma_semaphore, #tpu.memory_space<semaphore_mem>>
      %dma_start3A_17 = arith.constant 0 : i32
      %dma_start3A_18 = tpu.memref_slice %arg13[%mul3A_4, %dma_start3A_17] : memref<10112x128xf32, #tpu.memory_space<vmem_shared>> -> memref<632x128xf32, #tpu.memory_space<vmem_shared>>
      %dma_start3A_19 = arith.constant 0 : i32
      %dma_start3A_20 = arith.constant 0 : i32
      %dma_start3A_21 = tpu.memref_slice %arg5[%dma_start3A_19, %dma_start3A_20] : memref<632x128xf32, #tpu.memory_space<hbm>> -> memref<632x128xf32, #tpu.memory_space<hbm>>
      tpu.enqueue_dma source(%dma_start3A_21 : memref<632x128xf32, #tpu.memory_space<hbm>>) target(%dma_start3A_18 : memref<632x128xf32, #tpu.memory_space<vmem_shared>>) target_semaphore(%run_scoped3A : memref<!tpu.dma_semaphore, #tpu.memory_space<semaphore_mem>>)
      %dma_wait3A = arith.constant 0 : i32
      %dma_wait3A_22 = tpu.memref_slice %arg13[%mul3A_4, %dma_wait3A] : memref<10112x128xf32, #tpu.memory_space<vmem_shared>> -> memref<632x128xf32, #tpu.memory_space<vmem_shared>>
      %dma_wait3A_23 = arith.constant 0 : i32
      %dma_wait3A_24 = arith.constant 0 : i32
      %dma_wait3A_25 = tpu.memref_slice %arg5[%dma_wait3A_23, %dma_wait3A_24] : memref<632x128xf32, #tpu.memory_space<hbm>> -> memref<632x128xf32, #tpu.memory_space<hbm>>
      tpu.wait_dma2 semaphore(%run_scoped3A : memref<!tpu.dma_semaphore, #tpu.memory_space<semaphore_mem>>) src(%dma_wait3A_25 : memref<632x128xf32, #tpu.memory_space<hbm>>) dst(%dma_wait3A_22 : memref<632x128xf32, #tpu.memory_space<vmem_shared>>)
      tpu.yield
    }) : () -> ()
    "tpu.region"() ({
      %run_scoped3A = tpu.sem_alloc : memref<!tpu.dma_semaphore, #tpu.memory_space<semaphore_mem>>
      %dma_start3A_17 = tpu.memref_slice %arg3[%mul3A_2] : memref<327680xi32, #tpu.memory_space<hbm>> -> memref<128xi32, #tpu.memory_space<hbm>>
      %dma_start3A_18 = tpu.memref_slice %arg3[%mul3A_2] : memref<327680xi32, #tpu.memory_space<hbm>> -> memref<128xi32, #tpu.memory_space<hbm>>
      tpu.enqueue_dma source(%dma_start3A_18 : memref<128xi32, #tpu.memory_space<hbm>>) target(%arg7 : memref<128xi32, #tpu.memory_space<vmem>>) target_semaphore(%run_scoped3A : memref<!tpu.dma_semaphore, #tpu.memory_space<semaphore_mem>>)
      %dma_wait3A = tpu.memref_slice %arg3[%mul3A_2] : memref<327680xi32, #tpu.memory_space<hbm>> -> memref<128xi32, #tpu.memory_space<hbm>>
      %dma_wait3A_19 = tpu.memref_slice %arg3[%mul3A_2] : memref<327680xi32, #tpu.memory_space<hbm>> -> memref<128xi32, #tpu.memory_space<hbm>>
      tpu.wait_dma2 semaphore(%run_scoped3A : memref<!tpu.dma_semaphore, #tpu.memory_space<semaphore_mem>>) src(%dma_wait3A_19 : memref<128xi32, #tpu.memory_space<hbm>>) dst(%arg7 : memref<128xi32, #tpu.memory_space<vmem>>)
      tpu.yield
    }) : () -> ()
    "tpu.region"() ({
      %run_scoped3A = tpu.sem_alloc : memref<!tpu.dma_semaphore, #tpu.memory_space<semaphore_mem>>
      %dma_start3A_17 = tpu.memref_slice %arg4[%mul3A_2] : memref<327680xi32, #tpu.memory_space<hbm>> -> memref<128xi32, #tpu.memory_space<hbm>>
      %dma_start3A_18 = tpu.memref_slice %arg4[%mul3A_2] : memref<327680xi32, #tpu.memory_space<hbm>> -> memref<128xi32, #tpu.memory_space<hbm>>
      tpu.enqueue_dma source(%dma_start3A_18 : memref<128xi32, #tpu.memory_space<hbm>>) target(%arg8 : memref<128xi32, #tpu.memory_space<vmem>>) target_semaphore(%run_scoped3A : memref<!tpu.dma_semaphore, #tpu.memory_space<semaphore_mem>>)
      %dma_wait3A = tpu.memref_slice %arg4[%mul3A_2] : memref<327680xi32, #tpu.memory_space<hbm>> -> memref<128xi32, #tpu.memory_space<hbm>>
      %dma_wait3A_19 = tpu.memref_slice %arg4[%mul3A_2] : memref<327680xi32, #tpu.memory_space<hbm>> -> memref<128xi32, #tpu.memory_space<hbm>>
      tpu.wait_dma2 semaphore(%run_scoped3A : memref<!tpu.dma_semaphore, #tpu.memory_space<semaphore_mem>>) src(%dma_wait3A_19 : memref<128xi32, #tpu.memory_space<hbm>>) dst(%arg8 : memref<128xi32, #tpu.memory_space<vmem>>)
      tpu.yield
    }) : () -> ()
    %dma_start3A = arith.constant 0 : i32
    %dma_start3A_5 = arith.constant 0 : i32
    %dma_start3A_6 = tpu.memref_slice %arg2[%dma_start3A, %dma_start3A_5] : memref<10000x128xf32, #tpu.memory_space<hbm>> -> memref<10000x128xf32, #tpu.memory_space<hbm>>
    tpu.enqueue_indirect_dma source(%dma_start3A_6 : memref<10000x128xf32, #tpu.memory_space<hbm>>) target(%arg9 : memref<128x128xf32, #tpu.memory_space<vmem>>) offsets(%arg7 : memref<128xi32, #tpu.memory_space<vmem>>) semaphore(%arg14 : memref<!tpu.dma_semaphore, #tpu.memory_space<semaphore_mem>>)
    %barrier3A = arith.constant 0 : index
    tpu.barrier barrier_id(%barrier3A)
    %scan3A = arith.constant 0 : i32
    %scan3A_7 = arith.constant 0 : i32
    %scan3A_8 = arith.constant 40 : i32
    %scan3A_9 = arith.addi %scan3A_7, %scan3A_8 : i32
    %scan3A_10 = arith.constant 1 : i32
    scf.for %scan3A_17 = %scan3A_7 to %scan3A_9 step %scan3A_10  : i32 {
      %mul3A_18 = arith.constant 2 : i32
      %mul3A_19 = arith.muli %mul3A_18, %scan3A_17 : i32
      %mul3A_20 = arith.constant 128 : i32
      %mul3A_21 = arith.muli %mul3A_19, %mul3A_20 : i32
      %add3A_22 = arith.addi %mul3A_2, %mul3A_21 : i32
      %add3A_23 = arith.constant 128 : i32
      %add3A_24 = arith.addi %add3A_22, %add3A_23 : i32
      "tpu.region"() ({
        %run_scoped3A = tpu.sem_alloc : memref<!tpu.dma_semaphore, #tpu.memory_space<semaphore_mem>>
        %dma_start3A_47 = tpu.memref_slice %arg3[%add3A_24] : memref<327680xi32, #tpu.memory_space<hbm>> -> memref<128xi32, #tpu.memory_space<hbm>>
        %dma_start3A_48 = tpu.memref_slice %arg3[%add3A_24] : memref<327680xi32, #tpu.memory_space<hbm>> -> memref<128xi32, #tpu.memory_space<hbm>>
        tpu.enqueue_dma source(%dma_start3A_48 : memref<128xi32, #tpu.memory_space<hbm>>) target(%arg10 : memref<128xi32, #tpu.memory_space<vmem>>) target_semaphore(%run_scoped3A : memref<!tpu.dma_semaphore, #tpu.memory_space<semaphore_mem>>)
        %dma_wait3A_49 = tpu.memref_slice %arg3[%add3A_24] : memref<327680xi32, #tpu.memory_space<hbm>> -> memref<128xi32, #tpu.memory_space<hbm>>
        %dma_wait3A_50 = tpu.memref_slice %arg3[%add3A_24] : memref<327680xi32, #tpu.memory_space<hbm>> -> memref<128xi32, #tpu.memory_space<hbm>>
        tpu.wait_dma2 semaphore(%run_scoped3A : memref<!tpu.dma_semaphore, #tpu.memory_space<semaphore_mem>>) src(%dma_wait3A_50 : memref<128xi32, #tpu.memory_space<hbm>>) dst(%arg10 : memref<128xi32, #tpu.memory_space<vmem>>)
        tpu.yield
      }) : () -> ()
      %add3A_25 = arith.constant 128 : i32
      %add3A_26 = arith.addi %add3A_22, %add3A_25 : i32
      "tpu.region"() ({
        %run_scoped3A = tpu.sem_alloc : memref<!tpu.dma_semaphore, #tpu.memory_space<semaphore_mem>>
        %dma_start3A_47 = tpu.memref_slice %arg4[%add3A_26] : memref<327680xi32, #tpu.memory_space<hbm>> -> memref<128xi32, #tpu.memory_space<hbm>>
        %dma_start3A_48 = tpu.memref_slice %arg4[%add3A_26] : memref<327680xi32, #tpu.memory_space<hbm>> -> memref<128xi32, #tpu.memory_space<hbm>>
        tpu.enqueue_dma source(%dma_start3A_48 : memref<128xi32, #tpu.memory_space<hbm>>) target(%arg11 : memref<128xi32, #tpu.memory_space<vmem>>) target_semaphore(%run_scoped3A : memref<!tpu.dma_semaphore, #tpu.memory_space<semaphore_mem>>)
        %dma_wait3A_49 = tpu.memref_slice %arg4[%add3A_26] : memref<327680xi32, #tpu.memory_space<hbm>> -> memref<128xi32, #tpu.memory_space<hbm>>
        %dma_wait3A_50 = tpu.memref_slice %arg4[%add3A_26] : memref<327680xi32, #tpu.memory_space<hbm>> -> memref<128xi32, #tpu.memory_space<hbm>>
        tpu.wait_dma2 semaphore(%run_scoped3A : memref<!tpu.dma_semaphore, #tpu.memory_space<semaphore_mem>>) src(%dma_wait3A_50 : memref<128xi32, #tpu.memory_space<hbm>>) dst(%arg11 : memref<128xi32, #tpu.memory_space<vmem>>)
        tpu.yield
      }) : () -> ()
      %dma_start3A_27 = arith.constant 0 : i32
      %dma_start3A_28 = arith.constant 0 : i32
      %dma_start3A_29 = tpu.memref_slice %arg2[%dma_start3A_27, %dma_start3A_28] : memref<10000x128xf32, #tpu.memory_space<hbm>> -> memref<10000x128xf32, #tpu.memory_space<hbm>>
      tpu.enqueue_indirect_dma source(%dma_start3A_29 : memref<10000x128xf32, #tpu.memory_space<hbm>>) target(%arg12 : memref<128x128xf32, #tpu.memory_space<vmem>>) offsets(%arg10 : memref<128xi32, #tpu.memory_space<vmem>>) semaphore(%arg15 : memref<!tpu.dma_semaphore, #tpu.memory_space<semaphore_mem>>)
      %dma_wait3A = arith.constant 0 : i32
      %dma_wait3A_30 = arith.constant 0 : i32
      %dma_wait3A_31 = tpu.memref_slice %arg2[%dma_wait3A, %dma_wait3A_30] : memref<10000x128xf32, #tpu.memory_space<hbm>> -> memref<128x128xf32, #tpu.memory_space<hbm>>
      %dma_wait3A_32 = arith.constant 0 : i32
      %dma_wait3A_33 = arith.constant 0 : i32
      %dma_wait3A_34 = tpu.memref_slice %arg2[%dma_wait3A_32, %dma_wait3A_33] : memref<10000x128xf32, #tpu.memory_space<hbm>> -> memref<128x128xf32, #tpu.memory_space<hbm>>
      tpu.wait_dma2 semaphore(%arg14 : memref<!tpu.dma_semaphore, #tpu.memory_space<semaphore_mem>>) src(%dma_wait3A_34 : memref<128x128xf32, #tpu.memory_space<hbm>>) dst(%arg9 : memref<128x128xf32, #tpu.memory_space<vmem>>)
      "tpu.region"() ({
        %run_scoped3A = tpu.sem_alloc : memref<!tpu.dma_semaphore, #tpu.memory_space<semaphore_mem>>
        %dma_start3A_47 = arith.constant 0 : i32
        %dma_start3A_48 = arith.constant 0 : i32
        %dma_start3A_49 = tpu.memref_slice %arg13[%dma_start3A_47, %dma_start3A_48] : memref<10112x128xf32, #tpu.memory_space<vmem_shared>> -> memref<10112x128xf32, #tpu.memory_space<vmem_shared>>
        tpu.enqueue_indirect_dma source(%arg9 : memref<128x128xf32, #tpu.memory_space<vmem>>) target(%dma_start3A_49 : memref<10112x128xf32, #tpu.memory_space<vmem_shared>>) offsets(%arg8 : memref<128xi32, #tpu.memory_space<vmem>>) semaphore(%run_scoped3A : memref<!tpu.dma_semaphore, #tpu.memory_space<semaphore_mem>>) {add = true}
        %dma_wait3A_50 = arith.constant 0 : i32
        %dma_wait3A_51 = arith.constant 0 : i32
        %dma_wait3A_52 = tpu.memref_slice %arg13[%dma_wait3A_50, %dma_wait3A_51] : memref<10112x128xf32, #tpu.memory_space<vmem_shared>> -> memref<10112x128xf32, #tpu.memory_space<vmem_shared>>
        tpu.wait_indirect_dma semaphore(%run_scoped3A : memref<!tpu.dma_semaphore, #tpu.memory_space<semaphore_mem>>) src(%arg9 : memref<128x128xf32, #tpu.memory_space<vmem>>) dst(%dma_wait3A_52 : memref<10112x128xf32, #tpu.memory_space<vmem_shared>>)
        tpu.yield
      }) : () -> ()
      %mul3A_35 = arith.constant 2 : i32
      %mul3A_36 = arith.muli %mul3A_35, %scan3A_17 : i32
      %add3A_37 = arith.constant 2 : i32
      %add3A_38 = arith.addi %mul3A_36, %add3A_37 : i32
      %lt3A = arith.constant 80 : i32
      %lt3A_39 = arith.cmpi slt, %add3A_38, %lt3A : i32
      %convert_element_type3A = arith.extui %lt3A_39 : i1 to i32
      %cond3A = arith.constant 0 : i32
      %cond3A_40 = arith.cmpi ne, %convert_element_type3A, %cond3A : i32
      scf.if %cond3A_40 {
        %add3A_47 = arith.constant 256 : i32
        %add3A_48 = arith.addi %add3A_22, %add3A_47 : i32
        "tpu.region"() ({
          %run_scoped3A = tpu.sem_alloc : memref<!tpu.dma_semaphore, #tpu.memory_space<semaphore_mem>>
          %dma_start3A_54 = tpu.memref_slice %arg3[%add3A_48] : memref<327680xi32, #tpu.memory_space<hbm>> -> memref<128xi32, #tpu.memory_space<hbm>>
          %dma_start3A_55 = tpu.memref_slice %arg3[%add3A_48] : memref<327680xi32, #tpu.memory_space<hbm>> -> memref<128xi32, #tpu.memory_space<hbm>>
          tpu.enqueue_dma source(%dma_start3A_55 : memref<128xi32, #tpu.memory_space<hbm>>) target(%arg7 : memref<128xi32, #tpu.memory_space<vmem>>) target_semaphore(%run_scoped3A : memref<!tpu.dma_semaphore, #tpu.memory_space<semaphore_mem>>)
          %dma_wait3A_56 = tpu.memref_slice %arg3[%add3A_48] : memref<327680xi32, #tpu.memory_space<hbm>> -> memref<128xi32, #tpu.memory_space<hbm>>
          %dma_wait3A_57 = tpu.memref_slice %arg3[%add3A_48] : memref<327680xi32, #tpu.memory_space<hbm>> -> memref<128xi32, #tpu.memory_space<hbm>>
          tpu.wait_dma2 semaphore(%run_scoped3A : memref<!tpu.dma_semaphore, #tpu.memory_space<semaphore_mem>>) src(%dma_wait3A_57 : memref<128xi32, #tpu.memory_space<hbm>>) dst(%arg7 : memref<128xi32, #tpu.memory_space<vmem>>)
          tpu.yield
        }) : () -> ()
        %add3A_49 = arith.constant 256 : i32
        %add3A_50 = arith.addi %add3A_22, %add3A_49 : i32
        "tpu.region"() ({
          %run_scoped3A = tpu.sem_alloc : memref<!tpu.dma_semaphore, #tpu.memory_space<semaphore_mem>>
          %dma_start3A_54 = tpu.memref_slice %arg4[%add3A_50] : memref<327680xi32, #tpu.memory_space<hbm>> -> memref<128xi32, #tpu.memory_space<hbm>>
          %dma_start3A_55 = tpu.memref_slice %arg4[%add3A_50] : memref<327680xi32, #tpu.memory_space<hbm>> -> memref<128xi32, #tpu.memory_space<hbm>>
          tpu.enqueue_dma source(%dma_start3A_55 : memref<128xi32, #tpu.memory_space<hbm>>) target(%arg8 : memref<128xi32, #tpu.memory_space<vmem>>) target_semaphore(%run_scoped3A : memref<!tpu.dma_semaphore, #tpu.memory_space<semaphore_mem>>)
          %dma_wait3A_56 = tpu.memref_slice %arg4[%add3A_50] : memref<327680xi32, #tpu.memory_space<hbm>> -> memref<128xi32, #tpu.memory_space<hbm>>
          %dma_wait3A_57 = tpu.memref_slice %arg4[%add3A_50] : memref<327680xi32, #tpu.memory_space<hbm>> -> memref<128xi32, #tpu.memory_space<hbm>>
          tpu.wait_dma2 semaphore(%run_scoped3A : memref<!tpu.dma_semaphore, #tpu.memory_space<semaphore_mem>>) src(%dma_wait3A_57 : memref<128xi32, #tpu.memory_space<hbm>>) dst(%arg8 : memref<128xi32, #tpu.memory_space<vmem>>)
          tpu.yield
        }) : () -> ()
        %dma_start3A_51 = arith.constant 0 : i32
        %dma_start3A_52 = arith.constant 0 : i32
        %dma_start3A_53 = tpu.memref_slice %arg2[%dma_start3A_51, %dma_start3A_52] : memref<10000x128xf32, #tpu.memory_space<hbm>> -> memref<10000x128xf32, #tpu.memory_space<hbm>>
        tpu.enqueue_indirect_dma source(%dma_start3A_53 : memref<10000x128xf32, #tpu.memory_space<hbm>>) target(%arg9 : memref<128x128xf32, #tpu.memory_space<vmem>>) offsets(%arg7 : memref<128xi32, #tpu.memory_space<vmem>>) semaphore(%arg14 : memref<!tpu.dma_semaphore, #tpu.memory_space<semaphore_mem>>)
      } else {
      }
      %dma_wait3A_41 = arith.constant 0 : i32
      %dma_wait3A_42 = arith.constant 0 : i32
      %dma_wait3A_43 = tpu.memref_slice %arg2[%dma_wait3A_41, %dma_wait3A_42] : memref<10000x128xf32, #tpu.memory_space<hbm>> -> memref<128x128xf32, #tpu.memory_space<hbm>>
      %dma_wait3A_44 = arith.constant 0 : i32
      %dma_wait3A_45 = arith.constant 0 : i32
      %dma_wait3A_46 = tpu.memref_slice %arg2[%dma_wait3A_44, %dma_wait3A_45] : memref<10000x128xf32, #tpu.memory_space<hbm>> -> memref<128x128xf32, #tpu.memory_space<hbm>>
      tpu.wait_dma2 semaphore(%arg15 : memref<!tpu.dma_semaphore, #tpu.memory_space<semaphore_mem>>) src(%dma_wait3A_46 : memref<128x128xf32, #tpu.memory_space<hbm>>) dst(%arg12 : memref<128x128xf32, #tpu.memory_space<vmem>>)
      "tpu.region"() ({
        %run_scoped3A = tpu.sem_alloc : memref<!tpu.dma_semaphore, #tpu.memory_space<semaphore_mem>>
        %dma_start3A_47 = arith.constant 0 : i32
        %dma_start3A_48 = arith.constant 0 : i32
        %dma_start3A_49 = tpu.memref_slice %arg13[%dma_start3A_47, %dma_start3A_48] : memref<10112x128xf32, #tpu.memory_space<vmem_shared>> -> memref<10112x128xf32, #tpu.memory_space<vmem_shared>>
        tpu.enqueue_indirect_dma source(%arg12 : memref<128x128xf32, #tpu.memory_space<vmem>>) target(%dma_start3A_49 : memref<10112x128xf32, #tpu.memory_space<vmem_shared>>) offsets(%arg11 : memref<128xi32, #tpu.memory_space<vmem>>) semaphore(%run_scoped3A : memref<!tpu.dma_semaphore, #tpu.memory_space<semaphore_mem>>) {add = true}
        %dma_wait3A_50 = arith.constant 0 : i32
        %dma_wait3A_51 = arith.constant 0 : i32
        %dma_wait3A_52 = tpu.memref_slice %arg13[%dma_wait3A_50, %dma_wait3A_51] : memref<10112x128xf32, #tpu.memory_space<vmem_shared>> -> memref<10112x128xf32, #tpu.memory_space<vmem_shared>>
        tpu.wait_indirect_dma semaphore(%run_scoped3A : memref<!tpu.dma_semaphore, #tpu.memory_space<semaphore_mem>>) src(%arg12 : memref<128x128xf32, #tpu.memory_space<vmem>>) dst(%dma_wait3A_52 : memref<10112x128xf32, #tpu.memory_space<vmem_shared>>)
        tpu.yield
      }) : () -> ()
    }
    %scan3A_11 = arith.constant 40 : i32
    %barrier3A_12 = arith.constant 0 : index
    tpu.barrier barrier_id(%barrier3A_12)
    %mul3A_13 = arith.constant 632 : i32
    %mul3A_14 = arith.muli %arg1, %mul3A_13 : i32
    %mul3A_15 = arith.constant 632 : i32
    %mul3A_16 = arith.muli %arg1, %mul3A_15 : i32
    "tpu.region"() ({
      %run_scoped3A = tpu.sem_alloc : memref<!tpu.dma_semaphore, #tpu.memory_space<semaphore_mem>>
      %dma_start3A_17 = arith.constant 0 : i32
      %dma_start3A_18 = tpu.memref_slice %arg6[%arg0, %mul3A_16, %dma_start3A_17] : memref<2x10112x128xf32, #tpu.memory_space<hbm>> -> memref<1x632x128xf32, #tpu.memory_space<hbm>>
      %dma_start3A_19 = tpu.memref_squeeze %dma_start3A_18 : memref<1x632x128xf32, #tpu.memory_space<hbm>> -> memref<632x128xf32, #tpu.memory_space<hbm>>
      %dma_start3A_20 = arith.constant 0 : i32
      %dma_start3A_21 = tpu.memref_slice %arg13[%mul3A_14, %dma_start3A_20] : memref<10112x128xf32, #tpu.memory_space<vmem_shared>> -> memref<632x128xf32, #tpu.memory_space<vmem_shared>>
      tpu.enqueue_dma source(%dma_start3A_21 : memref<632x128xf32, #tpu.memory_space<vmem_shared>>) target(%dma_start3A_19 : memref<632x128xf32, #tpu.memory_space<hbm>>) target_semaphore(%run_scoped3A : memref<!tpu.dma_semaphore, #tpu.memory_space<semaphore_mem>>)
      %dma_wait3A = arith.constant 0 : i32
      %dma_wait3A_22 = tpu.memref_slice %arg6[%arg0, %mul3A_16, %dma_wait3A] : memref<2x10112x128xf32, #tpu.memory_space<hbm>> -> memref<1x632x128xf32, #tpu.memory_space<hbm>>
      %dma_wait3A_23 = tpu.memref_squeeze %dma_wait3A_22 : memref<1x632x128xf32, #tpu.memory_space<hbm>> -> memref<632x128xf32, #tpu.memory_space<hbm>>
      %dma_wait3A_24 = arith.constant 0 : i32
      %dma_wait3A_25 = tpu.memref_slice %arg13[%mul3A_14, %dma_wait3A_24] : memref<10112x128xf32, #tpu.memory_space<vmem_shared>> -> memref<632x128xf32, #tpu.memory_space<vmem_shared>>
      tpu.wait_dma2 semaphore(%run_scoped3A : memref<!tpu.dma_semaphore, #tpu.memory_space<semaphore_mem>>) src(%dma_wait3A_25 : memref<632x128xf32, #tpu.memory_space<vmem_shared>>) dst(%dma_wait3A_23 : memref<632x128xf32, #tpu.memory_space<hbm>>)
      tpu.yield
    }) : () -> ()
    return
  }
}

</mosaic_0001>

<sc_bundles>
// kernel: _mp_sc.3.cloned.1.call-start
scs
__scs_entry_jumppad:
0x0: {  	(pc) =	sbr.rel $0x88, $3  }
0x1: {  	(tag) =	ssettag $0x0;
	lr =	simm.s32 $0x1  }
0x2: {  	[smem:$0x3F9D] =	sst lr;
	_ =	strace $0xD0000000  }
0x3: {  	_ = 	snop  }
0x4: {  	_ = 	snop  }
0x5: {  	_ = 	snop  }
0x6: {  	_ = 	snop  }
0x7: {  	_ = 	snop  }
__scs_overlays_trampoline_lowered:
0x8: {  	[smem:$0x3FAC] =	sst s0  }
0x9: {  	[smem:$0x3FAD] =	sst s1  }
0xa: {  	[smem:$0x3FAE] =	sst s2  }
0xb: {  	[smem:$0x3FAF] =	sst s3  }
0xc: {  	[smem:$0x3FB0] =	sst s4  }
0xd: {  	[smem:$0x3FB1] =	sst s5  }
0xe: {  	[smem:$0x3FB2] =	sst s6  }
0xf: {  	[smem:$0x3FB3] =	sst s7  }
0x10: {  	[smem:$0x3FB4] =	sst s8  }
0x11: {  	[smem:$0x3FB5] =	sst s9;
	s0 =	simm.s32 @!p0 $0x0  }
0x12: {  	s1 =	sld [smem:$0x3F9B];
	s0 =	simm.s32 @p0 $0x1  }
0x13: {  	[smem:$0x3FB6] =	sst s0;
	s0 =	simm.s32 @!p1 $0x0  }
0x14: {  	s2 =	sld [smem:$0x3F9A];
	s0 =	simm.s32 @p1 $0x1  }
0x15: {  	[smem:$0x3FB7] =	sst s0;
	s0 =	simm.s32 @!p2 $0x0  }
0x16: {  	s3 =	sld [smem:$0x3FDB];
	s0 =	simm.s32 @p2 $0x1  }
0x17: {  	s4 =	simm.s32 $0x1BF5;
	[smem:$0x3FB9] =	sst s0  }
0x18: {  	s0 =	sld [smem:$0x3F9C];
	_ =	swait.ge [sflag:s4], $0x0  }
0x19: {  	s7 =	sld [smem:$0x3F9D]  }
0x1a: {  	s8 =	sadd.s32 $0xFFFFE003, lr  }
0x1b: {  	s9 =	sadd.s32 $0xFFFFFEF7, lr;
	s5 =	simm.s32 $0xFFFFFFFF;
	p2 =	slt.u32 s8, $0xFFFFF086  }
0x1c: {  	p1 =	slt.u32 s9, $0xF7A;
	s5 =	simm.s32 @!p2 $0x0  }
0x1d: {  	s5 =	simm.s32 @p1 $0x1;
	p0 =	seq.s32 s7, s2  }
0x1e: {  	s7 =	smul.u32 @!p0 $0xF7A, s2;
	p2 =	seq.s32 @!p0 s5, $0x0  }
0x1f: {  	s9 =	smul.u32 $0xF7A, s1;
	s8 =	simm.s32 @!p0 $0x1BF5;
	p2 =	por !p2, p0  }
0x20: {  	[sflag:s8] =	ssyncset.s32 @!p0 $0xFFFFF086;
	s6 =	sadd.s32 @!p0 s3, s7;
	s7 =	simm.s32 @!p0 $0x108  }
0x21: {  	s3 =	sadd.s32 s3, s9;
	s6 =	sadd.s32 @!p0 $0x88, s6;
	s7 =	simm.s32 @p2 $0x1082  }
0x22: {  	[simem:s7], [sflag:s8] =	dma.local @!p0 [hbm:s6], $0xF7A  }
0x23: {  	s9 =	sor.u32 $0xD0000000, s2;
	s6 =	simm.s32 $0x108;
	_ =	swait.ge @!p0 [sflag:s8], $0x0  }
0x24: {  	s3 =	sadd.s32 $0x88, s3;
	s6 =	simm.s32 @!p1 $0x1082;
	[sflag:s4] =	ssyncset.s32 $0xFFFFF086  }
0x25: {  	[simem:s6], [sflag:s4] =	dma.local [hbm:s3], $0xF7A  }
0x26: {  	[smem:$0x3F9D] =	sst s1;
	(tag) =	ssettag s2;
	_ =	strace s9  }
0x27: {  	s1 =	sld [smem:$0x3FAD]  }
0x28: {  	s2 =	sld [smem:$0x3FAE]  }
0x29: {  	s4 =	sld [smem:$0x3FB0]  }
0x2a: {  	p0 =	seq.s32 s5, $0x0;
	s5 =	sld [smem:$0x3FB1]  }
0x2b: {  	s6 =	sld [smem:$0x3FB2]  }
0x2c: {  	s7 =	sld [smem:$0x3FB3]  }
0x2d: {  	s3 =	simm.s32 $0x108;
	s8 =	sld [smem:$0x3FB4]  }
0x2e: {  	s3 =	simm.s32 @!p0 $0x1082;
	s9 =	sld [smem:$0x3FB5]  }
0x2f: {  	lr =	sadd.s32 s0, s3;
	s0 =	sld [smem:$0x3FAC]  }
0x30: {  	s3 =	sld [smem:$0x3FAF]  }
0x31: {  	[smem:$0x3FB8] =	sst s10  }
0x32: {  	s10 =	sld [smem:$0x3FB6];
	_ =	sdelay $0x3  }
0x33: {  	p0 =	seq.s32 s10, $0x1;
	s10 =	sld [smem:$0x3FB8];
	_ =	sdelay $0x3  }
0x34: {  	[smem:$0x3FB8] =	sst s10  }
0x35: {  	s10 =	sld [smem:$0x3FB7];
	_ =	sdelay $0x3  }
0x36: {  	p1 =	seq.s32 s10, $0x1;
	s10 =	sld [smem:$0x3FB8];
	_ =	sdelay $0x3  }
0x37: {  	[smem:$0x3FB8] =	sst s10  }
0x38: {  	s10 =	sld [smem:$0x3FB9]  }
0x39: {  	_ = 	snop;
	(pc) =	sbr.ind lr, $3  }
0x3a: {  	_ = 	snop  }
0x3b: {  	_ = 	snop  }
0x3c: {  	p2 =	seq.s32 s10, $0x1;
	s10 =	sld [smem:$0x3FB8]  }
0x3d: {  	_ =	shalt  }
0x3e: {  	_ =	shalt  }
0x3f: {  	_ =	shalt  }
0x40: {  	_ =	shalt  }
0x41: {  	_ =	shalt  }
0x42: {  	_ =	shalt  }
0x43: {  	_ =	shalt  }
0x44: {  	_ =	shalt  }
0x45: {  	_ =	shalt  }
0x46: {  	_ =	shalt  }
0x47: {  	_ =	shalt  }
0x48: {  	_ =	shalt  }
0x49: {  	_ =	shalt  }
0x4a: {  	_ =	shalt  }
0x4b: {  	_ =	shalt  }
0x4c: {  	_ =	shalt  }
0x4d: {  	_ =	shalt  }
0x4e: {  	_ =	shalt  }
0x4f: {  	_ =	shalt  }
0x50: {  	_ =	shalt  }
0x51: {  	_ =	shalt  }
0x52: {  	_ =	shalt  }
0x53: {  	_ =	shalt  }
0x54: {  	_ =	shalt  }
0x55: {  	_ =	shalt  }
0x56: {  	_ =	shalt  }
0x57: {  	_ =	shalt  }
0x58: {  	_ =	shalt  }
0x59: {  	_ =	shalt  }
0x5a: {  	_ =	shalt  }
0x5b: {  	_ =	shalt  }
0x5c: {  	_ =	shalt  }
0x5d: {  	_ =	shalt  }
0x5e: {  	_ =	shalt  }
0x5f: {  	_ =	shalt  }
0x60: {  	_ =	shalt  }
0x61: {  	_ =	shalt  }
0x62: {  	_ =	shalt  }
0x63: {  	_ =	shalt  }
0x64: {  	_ =	shalt  }
0x65: {  	_ =	shalt  }
0x66: {  	_ =	shalt  }
0x67: {  	_ =	shalt  }
0x68: {  	_ =	shalt  }
0x69: {  	_ =	shalt  }
0x6a: {  	_ =	shalt  }
0x6b: {  	_ =	shalt  }
0x6c: {  	_ =	shalt  }
0x6d: {  	_ =	shalt  }
0x6e: {  	_ =	shalt  }
0x6f: {  	_ =	shalt  }
0x70: {  	_ =	shalt  }
0x71: {  	_ =	shalt  }
0x72: {  	_ =	shalt  }
0x73: {  	_ =	shalt  }
0x74: {  	_ =	shalt  }
0x75: {  	_ =	shalt  }
0x76: {  	_ =	shalt  }
0x77: {  	_ =	shalt  }
0x78: {  	_ =	shalt  }
0x79: {  	_ =	shalt  }
0x7a: {  	_ =	shalt  }
0x7b: {  	_ =	shalt  }
0x7c: {  	_ =	shalt  }
0x7d: {  	_ =	shalt  }
0x7e: {  	_ =	shalt  }
0x7f: {  	_ =	shalt  }
0x80: {  	_ =	shalt  }
0x81: {  	_ =	shalt  }
0x82: {  	_ =	shalt  }
0x83: {  	_ =	shalt  }
0x84: {  	_ =	shalt  }
0x85: {  	_ =	shalt  }
0x86: {  	_ =	shalt  }
0x87: {  	_ =	shalt  }
.Lfunc_end0:
.L_simem_size_0:
called_computation_lowered:
.L_overlay_start_0:
0x88: {  	s2 =	sld [smem:$0x3FD9]  }
0x89: {  	s3 =	sld [smem:$0x3FFE];
	_ =	sdelay $0x1  }
0x8a: {  	s1 =	srdreg.scid  }
0x8b: {  	s0 =	sand.u32 $0x1, s1  }
0x8c: {  	s18 =	sshll.u32 s0, $0xA;
	s2 =	sadd.s32 s3, s2  }
0x8d: {  	s2 =	sadd.s32 s2, s18  }
0x8e: {  	[smem:$0x3FC4] =	sst s2  }
0x8f: {  	_ = 	snop  }
0x90: {  	s2 =	sld [smem:$0x3FC9]  }
0x91: {  	s19 =	sld [smem:$0x3FC8]  }
0x92: {  	s4 =	sld [smem:$0x3FC7]  }
0x93: {  	s5 =	sld [smem:$0x3FC6]  }
0x94: {  	s6 =	sld [smem:$0x3FD0];
	(tm) =	ssettm $0x1  }
0x95: {  	s7 =	sld [smem:$0x3FFB];
	_ =	sdelay $0x3  }
0x96: {  	_ =	strace s7  }
0x97: {  	s7 =	sld [smem:$0x3FFC];
	_ =	sdelay $0x3  }
0x98: {  	_ =	strace s7  }
0x99: {  	s7 =	sld [smem:$0x3FFD];
	_ =	sdelay $0x3  }
0x9a: {  	_ =	strace s7  }
0x9b: {  	_ =	strace $0x8FFFFFFF  }
0x9c: {  	s20 =	sld [smem:$0x3FDB];
	_ =	sdelay $0x1  }
0x9d: {  	s8 =	simm.s32 $_scs_section_size  }
0x9e: {  	s9 =	simm.s32 $_size__tile_overlayer_lowered;
	s10 =	simm.s32 $_tile_overlayer_lowered  }
0x9f: {  	s23 =	simm.s32 $0x1BFF;
	s22 =	sshll.u32 s10, $0x1;
	s7 =	sadd.s32 s8, s20  }
0xa0: {  	s11 =	simm.s32 $0x0;
	s21 =	sshll.u32 s9, $0x1;
	s9 =	sadd.s32 s22, s7  }
0xa1: {  	[timem:s11], [sflag:s23] =	dma.local [hbm:s9], s21  }
0xa2: {  	_ =	swait.ge [sflag:s23], s21  }
0xa3: {  	s8 =	ssub.s32 $0x0, s21;
	[sflag:s23] =	ssyncset.done $0x0  }
0xa4: {  	[sflag:s23] =	ssyncadd.s32 s8;
	_ =	sdelay $0x1  }
0xa5: {  	s24 =	simm.s32 $0x1B8B  }
0xa6: {  	_ =	swait.ge [sflag:s24], $0x1  }
0xa7: {  	[sflag:s24] =	ssyncset.done $0x0  }
0xa8: {  	s25 =	simm.s32 $0x1B8E;
	[sflag:s24] =	ssyncadd.s32 $0xFFFFFFFF  }
0xa9: {  	s26 =	simm.s32 $execute0_lowered;
	[smem:$0x3FD2] =	sst s25  }
0xaa: {  	s8 =	sshll.u32 s26, $0x1;
	_ =	strace $0x80000046;
	[dreg:$0x1] =	wrdreg $0xFFFFFFFF  }
0xab: {  	s28 =	simm.s32 $_size_execute0_lowered;
	s7 =	sadd.s32 s7, s8;
	[dreg:$0x0] =	wrdreg $0x0  }
0xac: {  	s8 =	sshll.u32 s28, $0x1;
	[dreg:$0x2] =	wrdreg s7  }
0xad: {  	[dreg:$0x3] =	wrdreg s8  }
0xae: {  	[dreg:$0x4] =	wrdreg $0xC0  }
0xaf: {  	_ =	task [dreg:s11], $0x5FFFF  }
0xb0: {  	[dreg:$0x1] =	wrdreg $0xFFFFFFFF  }
0xb1: {  	[dreg:$0x0] =	wrdreg $0x60  }
0xb2: {  	[dreg:$0x2] =	wrdreg s2  }
0xb3: {  	[dreg:$0x3] =	wrdreg s19  }
0xb4: {  	[dreg:$0x4] =	wrdreg s4  }
0xb5: {  	[dreg:$0x5] =	wrdreg s5  }
0xb6: {  	[dreg:$0x6] =	wrdreg s6  }
0xb7: {  	[dreg:$0x7] =	wrdreg $0x82000  }
0xb8: {  	[dreg:$0x8] =	wrdreg $0x9  }
0xb9: {  	_ =	task.clear_ibuf [dreg:s11], $0x9FFFF;
	_ =	strace $0x90000046  }
0xba: {  	s29 =	simm.s32 $0x9;
	_ =	strace $0x80000048  }
0xbb: {  	_ =	swait.ge [sflag:s29], $0x1  }
0xbc: {  	[sflag:s29] =	ssyncadd.s32 $0xFFFFFFFF  }
0xbd: {  	_ =	strace $0x90000048  }
0xbe: {  	_ =	sfence  }
0xbf: {  	s30 =	sld [smem:$0x0];
	_ =	sdelay $0x2  }
0xc0: {  	s31 =	sshll.u32 s1, $0xD;
	s1 =	sshrl.u32 s1, $0x2  }
0xc1: {  	s3 =	sand.u32 $0x4000, s31;
	s1 =	sadd.s32 s1, s30  }
0xc2: {  	s0 =	sor.u32 s3, s0;
	s1 =	sshll.u32 s1, $0x11  }
0xc3: {  	s0 =	sor.u32 s1, s0  }
0xc4: {  	s0 =	sadd.s32 $0x8F2B, s0  }
0xc5: {  	[sflag:s0] =	ssyncadd.remote.s32 $0x1  }
0xc6: {  	_ =	sfence.sel $0xFFFF  }
0xc7: {  	[dreg:$0x0] =	wrdreg $0xFFFFFFFF;
	(pc) =	sbr.abs _section_cstart, $3  }
0xc8: {  	[dreg:$0x1] =	wrdreg $0xFFFFFFFF  }
0xc9: {  	_ =	task.clear_ibuf [dreg:s11], $0x2FFFF;
	_ =	strace $0x9FFFFFFF  }
0xca: {  	(tm) =	ssettm $0x7FFFFFFF  }
0xcb: {  	_ =	shalt  }
tec
execute0_lowered:
.L_overlay_start_1:
0x0: {  	(tag) =	ssettag $0x1  }
0x1: {  	s0 =	rddreg [dreg:$0x0]  }
0x2: {  	s16 =	rddreg [dreg:$0x1]  }
0x3: {  	s15 =	rddreg [dreg:$0x2]  }
0x4: {  	s2 =	rddreg [dreg:$0x3]  }
0x5: {  	s9 =	rddreg [dreg:$0x4];
	s4 =	srdreg.scid  }
0x6: {  	s3 =	rddreg [dreg:$0x5];
	s7 =	sand.u32 $0x1, s4;
	s4 =	stileid.u32  }
0x7: {  	s5 =	simm.s32 $0x0;
	s21 =	simm.s32 $0x4100;
	s10 =	smul.u32 $0x4F000, s4  }
0x8: {  	s22 =	simm.s32 $0x4180;
	s23 =	simm.s32 $0x4200;
	s25 =	smul.u32 $0x13C000, s7  }
0x9: {  	[smem:$0x7FF] =	sst s5;
	s6 =	ssub.s32 $0x2, s7;
	s12 =	smul.u32 $0x13C00, s4  }
0xa: {  	_ =	strace $0x80000047;
	s24 =	sshll.u32 s4, $0x1;
	s28 =	smul.u32 $0x5000, s4  }
0xb: {  	s26 =	sshll.u32 s4, $0x6;
	s14 =	smul.u32 $0x2800, s7;
	s8 =	sshrl.u32 s6, $0x1  }
0xc: {  	s11 =	ssub.s32 s6, s8;
	s6 =	sor.u32 s7, s24;
	s10 =	sshrl.u32 s10, $0x2  }
0xd: {  	s8 =	sadd.s32 s12, s25;
	s14 =	sadd.s32 s14, s28;
	s24 =	simm.s32 $0x1  }
0xe: {  	s25 =	simm.s32 $0x2;
	s13 =	smul.u32 $0x2800, s6;
	s17 =	sadd.s32 s10, s3  }
0xf: {  	s6 =	sor.u32 $0x1C03, s26;
	s29 =	sshrl.u32 s8, $0x3;
	s10 =	smax.u32 s11, $0x1  }
0x10: {  	s30 =	sshrl.u32 s14, $0x3;
	s20 =	sor.u32 $0x100, s14;
	s26 =	simm.s32 $0x0  }
0x11: {  	s9 =	sadd.s32 s9, s29;
	s18 =	sadd.s32 s30, s16;
	s19 =	sadd.s32 s30, s15  }
0x12: {  	s31 =	sshrl.u32 s20, $0x3;
	s17 =	sshrl.u32 s17, $0x3;
	s20 =	simm.s32 $0x100  }
0x13: {  	s13 =	sshrl.u32 s13, $0x3;
	s14 =	sadd.s32 $0x10, s19;
	s19 =	simm.s32 $0x80  }
0x14: {  	s7 =	sadd.s32 s16, s13;
	s8 =	sadd.s32 s15, s13;
	s13 =	sadd.s32 $0x4F0, s13  }
0x15: {  	s11 =	sadd.s32 s16, s13;
	s12 =	sadd.s32 s15, s13;
	s13 =	sadd.s32 $0x10, s18  }
0x16: {  	s15 =	sadd.s32 s31, s15;
	s16 =	sadd.s32 s31, s16;
	s18 =	simm.s32 $0x3  }
.LBB2_1:
0x17: {  	[spmem:s17], [sflag:s6] =	dma.local [hbm:s2], $0x2780  }
0x18: {  	_ =	swait.ge [sflag:s18], $0x2780  }
0x19: {  	[sflag:s18] =	ssyncset.done $0x0  }
0x1a: {  	[sflag:s18] =	ssyncadd.s32 $0xFFFFD880  }
0x1b: {  	[tilespmem:s5], [sflag:$0x3] =	stream.linear.gather [hbm4b:s7+s5], $0x80, $0x38;
	[tilespmem:$0x1BE00] =	vst v63  }
0x1c: {  	_ =	swait.ge [sflag:s18], $0x80  }
0x1d: {  	[sflag:s18] =	ssyncset.done $0x0  }
0x1e: {  	[sflag:s18] =	ssyncadd.s32 $0xFFFFFF80  }
0x1f: {  	[tilespmem:s19], [sflag:$0x3] =	stream.linear.gather [hbm4b:s8+s5], $0x80, $0x38;
	[tilespmem:$0x1BE00] =	vst v63  }
0x20: {  	_ =	swait.ge [sflag:s18], $0x80  }
0x21: {  	[sflag:s18] =	ssyncset.done $0x0  }
0x22: {  	[sflag:s18] =	ssyncadd.s32 $0xFFFFFF80  }
0x23: {  	[tilespmem:s20], [sflag:$0x1] =	stream.indirect.gather [hbm4b:s0+s19], $0x80, s5, s19, $0xb8;
	[tilespmem:$0x1BE00] =	vst v63  }
0x24: {  	s28 =	sadd.s32 $0x0, s13;
	[bflag:$0x0] =	sbarrier.arrive $0xFFFF  }
0x25: {  	[tilespmem:s21], [sflag:$0x3] =	stream.linear.gather [hbm4b:s28+s5], $0x80, $0x38;
	[tilespmem:$0x1BE00] =	vst v63  }
0x26: {  	_ =	swait.ge [sflag:s18], $0x80  }
0x27: {  	[sflag:s18] =	ssyncset.done $0x0  }
0x28: {  	s28 =	sadd.s32 $0x0, s14;
	[sflag:s18] =	ssyncadd.s32 $0xFFFFFF80  }
0x29: {  	[tilespmem:s22], [sflag:$0x3] =	stream.linear.gather [hbm4b:s28+s5], $0x80, $0x38;
	[tilespmem:$0x1BE00] =	vst v63  }
0x2a: {  	_ =	swait.ge [sflag:s18], $0x80  }
0x2b: {  	[sflag:s18] =	ssyncset.done $0x0  }
0x2c: {  	[sflag:s18] =	ssyncadd.s32 $0xFFFFFF80  }
0x2d: {  	[tilespmem:s23], [sflag:$0x2] =	stream.indirect.gather [hbm4b:s0+s19], $0x80, s21, s19, $0xb8;
	[tilespmem:$0x1BE00] =	vst v63  }
0x2e: {  	_ =	swait.ge [sflag:s24], $0x4000  }
0x2f: {  	[sflag:s24] =	ssyncset.done $0x0  }
0x30: {  	[sflag:s24] =	ssyncadd.s32 $0xFFFFC000  }
0x31: {  	[spmem:s3] =	stream.indirect.scatter.add.f32 [tilespmem:s20], [sflag:$0x3], $0x80, s19, s19, $0xb8;
	[tilespmem:$0x1BE00] =	vst v63  }
0x32: {  	_ =	swait.ge [sflag:s18], $0x4000  }
0x33: {  	[sflag:s18] =	ssyncset.done $0x0  }
0x34: {  	s28 =	sadd.s32 $0x0, s16;
	[sflag:s18] =	ssyncadd.s32 $0xFFFFC000  }
0x35: {  	[tilespmem:s5], [sflag:$0x3] =	stream.linear.gather [hbm4b:s28+s5], $0x80, $0x38;
	[tilespmem:$0x1BE00] =	vst v63  }
0x36: {  	_ =	swait.ge [sflag:s18], $0x80  }
0x37: {  	[sflag:s18] =	ssyncset.done $0x0  }
0x38: {  	s28 =	sadd.s32 $0x0, s15;
	[sflag:s18] =	ssyncadd.s32 $0xFFFFFF80  }
0x39: {  	[tilespmem:s19], [sflag:$0x3] =	stream.linear.gather [hbm4b:s28+s5], $0x80, $0x38;
	[tilespmem:$0x1BE00] =	vst v63  }
0x3a: {  	_ =	swait.ge [sflag:s18], $0x80  }
0x3b: {  	[sflag:s18] =	ssyncset.done $0x0  }
0x3c: {  	[sflag:s18] =	ssyncadd.s32 $0xFFFFFF80  }
0x3d: {  	[tilespmem:s20], [sflag:$0x1] =	stream.indirect.gather [hbm4b:s0+s19], $0x80, s5, s19, $0xb8;
	[tilespmem:$0x1BE00] =	vst v63  }
0x3e: {  	_ =	swait.ge [sflag:s25], $0x4000  }
0x3f: {  	[sflag:s25] =	ssyncset.done $0x0  }
0x40: {  	[sflag:s25] =	ssyncadd.s32 $0xFFFFC000  }
0x41: {  	[spmem:s3] =	stream.indirect.scatter.add.f32 [tilespmem:s23], [sflag:$0x3], $0x80, s22, s19, $0xb8;
	[tilespmem:$0x1BE00] =	vst v63  }
0x42: {  	_ =	swait.ge [sflag:s18], $0x4000  }
0x43: {  	s30 =	simm.s32 $0x40;
	s28 =	simm.s32 $0x20;
	[sflag:s18] =	ssyncset.done $0x0  }
.LBB2_2:
0x44: {  	s31 =	sadd.s32 s28, s13  }
0x45: {  	[sflag:s18] =	ssyncadd.s32 $0xFFFFC000;
	s1 =	smov.u32 s30;
	s29 =	sadd.s32 $0x20, s30  }
0x46: {  	[tilespmem:s21], [sflag:$0x3] =	stream.linear.gather [hbm4b:s31+s5], $0x80, $0x38;
	[tilespmem:$0x1BE00] =	vst v63  }
0x47: {  	p0 =	sne.s32 s30, $0x4C0;
	_ =	swait.ge [sflag:s18], $0x80  }
0x48: {  	[sflag:s18] =	ssyncset.done $0x0  }
0x49: {  	s30 =	sadd.s32 s28, s14;
	[sflag:s18] =	ssyncadd.s32 $0xFFFFFF80  }
0x4a: {  	[tilespmem:s22], [sflag:$0x3] =	stream.linear.gather [hbm4b:s30+s5], $0x80, $0x38;
	[tilespmem:$0x1BE00] =	vst v63  }
0x4b: {  	_ =	swait.ge [sflag:s18], $0x80  }
0x4c: {  	[sflag:s18] =	ssyncset.done $0x0  }
0x4d: {  	[sflag:s18] =	ssyncadd.s32 $0xFFFFFF80  }
0x4e: {  	[tilespmem:s23], [sflag:$0x2] =	stream.indirect.gather [hbm4b:s0+s19], $0x80, s21, s19, $0xb8;
	[tilespmem:$0x1BE00] =	vst v63  }
0x4f: {  	_ =	swait.ge [sflag:s24], $0x4000  }
0x50: {  	[sflag:s24] =	ssyncset.done $0x0  }
0x51: {  	[sflag:s24] =	ssyncadd.s32 $0xFFFFC000  }
0x52: {  	[spmem:s3] =	stream.indirect.scatter.add.f32 [tilespmem:s20], [sflag:$0x3], $0x80, s19, s19, $0xb8;
	[tilespmem:$0x1BE00] =	vst v63  }
0x53: {  	_ =	swait.ge [sflag:s18], $0x4000  }
0x54: {  	[sflag:s18] =	ssyncset.done $0x0  }
0x55: {  	s30 =	sadd.s32 s28, s16;
	[sflag:s18] =	ssyncadd.s32 $0xFFFFC000  }
0x56: {  	[tilespmem:s5], [sflag:$0x3] =	stream.linear.gather [hbm4b:s30+s5], $0x80, $0x38;
	[tilespmem:$0x1BE00] =	vst v63  }
0x57: {  	_ =	swait.ge [sflag:s18], $0x80  }
0x58: {  	[sflag:s18] =	ssyncset.done $0x0  }
0x59: {  	s30 =	sadd.s32 s28, s15;
	s28 =	smov.u32 s1;
	[sflag:s18] =	ssyncadd.s32 $0xFFFFFF80  }
0x5a: {  	[tilespmem:s19], [sflag:$0x3] =	stream.linear.gather [hbm4b:s30+s5], $0x80, $0x38;
	[tilespmem:$0x1BE00] =	vst v63  }
0x5b: {  	_ =	swait.ge [sflag:s18], $0x80  }
0x5c: {  	[sflag:s18] =	ssyncset.done $0x0  }
0x5d: {  	[sflag:s18] =	ssyncadd.s32 $0xFFFFFF80  }
0x5e: {  	[tilespmem:s20], [sflag:$0x1] =	stream.indirect.gather [hbm4b:s0+s19], $0x80, s5, s19, $0xb8;
	[tilespmem:$0x1BE00] =	vst v63  }
0x5f: {  	_ =	swait.ge [sflag:s25], $0x4000  }
.Ltmp0:
0x60: {  	[sflag:s25] =	ssyncset.done $0x0;
	(pc) =	sbr.rel @p0 .LBB2_2-.Ltmp0, $4  }
0x61: {  	[sflag:s25] =	ssyncadd.s32 $0xFFFFC000  }
0x62: {  	[spmem:s3] =	stream.indirect.scatter.add.f32 [tilespmem:s23], [sflag:$0x3], $0x80, s22, s19, $0xb8;
	[tilespmem:$0x1BE00] =	vst v63  }
0x63: {  	_ =	swait.ge [sflag:s18], $0x4000  }
0x64: {  	s30 =	smov.u32 s29;
	[sflag:s18] =	ssyncset.done $0x0  }
0x65: {  	s1 =	sadd.s32 s28, s13;
	[sflag:s18] =	ssyncadd.s32 $0xFFFFC000  }
0x66: {  	[tilespmem:s21], [sflag:$0x3] =	stream.linear.gather [hbm4b:s1+s5], $0x80, $0x38;
	[tilespmem:$0x1BE00] =	vst v63  }
0x67: {  	_ =	swait.ge [sflag:s18], $0x80  }
0x68: {  	[sflag:s18] =	ssyncset.done $0x0  }
0x69: {  	s29 =	sadd.s32 s28, s14;
	[sflag:s18] =	ssyncadd.s32 $0xFFFFFF80  }
0x6a: {  	[tilespmem:s22], [sflag:$0x3] =	stream.linear.gather [hbm4b:s29+s5], $0x80, $0x38;
	[tilespmem:$0x1BE00] =	vst v63  }
0x6b: {  	_ =	swait.ge [sflag:s18], $0x80  }
0x6c: {  	[sflag:s18] =	ssyncset.done $0x0  }
0x6d: {  	[sflag:s18] =	ssyncadd.s32 $0xFFFFFF80  }
0x6e: {  	[tilespmem:s23], [sflag:$0x2] =	stream.indirect.gather [hbm4b:s0+s19], $0x80, s21, s19, $0xb8;
	[tilespmem:$0x1BE00] =	vst v63  }
0x6f: {  	_ =	swait.ge [sflag:s24], $0x4000  }
0x70: {  	[sflag:s24] =	ssyncset.done $0x0  }
0x71: {  	[sflag:s24] =	ssyncadd.s32 $0xFFFFC000  }
0x72: {  	[spmem:s3] =	stream.indirect.scatter.add.f32 [tilespmem:s20], [sflag:$0x3], $0x80, s19, s19, $0xb8;
	[tilespmem:$0x1BE00] =	vst v63  }
0x73: {  	_ =	swait.ge [sflag:s18], $0x4000  }
0x74: {  	[sflag:s18] =	ssyncset.done $0x0  }
0x75: {  	s30 =	sadd.s32 s28, s16;
	[sflag:s18] =	ssyncadd.s32 $0xFFFFC000  }
0x76: {  	[tilespmem:s5], [sflag:$0x3] =	stream.linear.gather [hbm4b:s30+s5], $0x80, $0x38;
	[tilespmem:$0x1BE00] =	vst v63  }
0x77: {  	_ =	swait.ge [sflag:s18], $0x80  }
0x78: {  	[sflag:s18] =	ssyncset.done $0x0  }
0x79: {  	s31 =	sadd.s32 s28, s15;
	[sflag:s18] =	ssyncadd.s32 $0xFFFFFF80  }
0x7a: {  	[tilespmem:s19], [sflag:$0x3] =	stream.linear.gather [hbm4b:s31+s5], $0x80, $0x38;
	[tilespmem:$0x1BE00] =	vst v63  }
0x7b: {  	_ =	swait.ge [sflag:s18], $0x80  }
0x7c: {  	[sflag:s18] =	ssyncset.done $0x0  }
0x7d: {  	[sflag:s18] =	ssyncadd.s32 $0xFFFFFF80  }
0x7e: {  	[tilespmem:s20], [sflag:$0x1] =	stream.indirect.gather [hbm4b:s0+s19], $0x80, s5, s19, $0xb8;
	[tilespmem:$0x1BE00] =	vst v63  }
0x7f: {  	_ =	swait.ge [sflag:s25], $0x4000  }
0x80: {  	[sflag:s25] =	ssyncset.done $0x0  }
0x81: {  	[sflag:s25] =	ssyncadd.s32 $0xFFFFC000  }
0x82: {  	[spmem:s3] =	stream.indirect.scatter.add.f32 [tilespmem:s23], [sflag:$0x3], $0x80, s22, s19, $0xb8;
	[tilespmem:$0x1BE00] =	vst v63  }
0x83: {  	_ =	swait.ge [sflag:s18], $0x4000  }
0x84: {  	[sflag:s18] =	ssyncset.done $0x0  }
0x85: {  	[sflag:s18] =	ssyncadd.s32 $0xFFFFC000  }
0x86: {  	[tilespmem:s21], [sflag:$0x3] =	stream.linear.gather [hbm4b:s11+s5], $0x80, $0x38;
	[tilespmem:$0x1BE00] =	vst v63  }
0x87: {  	_ =	swait.ge [sflag:s18], $0x80  }
0x88: {  	[sflag:s18] =	ssyncset.done $0x0  }
0x89: {  	[sflag:s18] =	ssyncadd.s32 $0xFFFFFF80  }
0x8a: {  	[tilespmem:s22], [sflag:$0x3] =	stream.linear.gather [hbm4b:s12+s5], $0x80, $0x38;
	[tilespmem:$0x1BE00] =	vst v63  }
0x8b: {  	_ =	swait.ge [sflag:s18], $0x80  }
0x8c: {  	[sflag:s18] =	ssyncset.done $0x0  }
0x8d: {  	[sflag:s18] =	ssyncadd.s32 $0xFFFFFF80  }
0x8e: {  	[tilespmem:s23], [sflag:$0x2] =	stream.indirect.gather [hbm4b:s0+s19], $0x80, s21, s19, $0xb8;
	[tilespmem:$0x1BE00] =	vst v63  }
0x8f: {  	_ =	swait.ge [sflag:s24], $0x4000  }
0x90: {  	[sflag:s24] =	ssyncset.done $0x0  }
0x91: {  	[sflag:s24] =	ssyncadd.s32 $0xFFFFC000  }
0x92: {  	[spmem:s3] =	stream.indirect.scatter.add.f32 [tilespmem:s20], [sflag:$0x3], $0x80, s19, s19, $0xb8;
	[tilespmem:$0x1BE00] =	vst v63  }
0x93: {  	_ =	swait.ge [sflag:s18], $0x4000  }
0x94: {  	[sflag:s18] =	ssyncset.done $0x0  }
0x95: {  	[sflag:s18] =	ssyncadd.s32 $0xFFFFC000  }
0x96: {  	_ =	swait.ge [sflag:s25], $0x4000  }
0x97: {  	[sflag:s25] =	ssyncset.done $0x0  }
0x98: {  	[sflag:s25] =	ssyncadd.s32 $0xFFFFC000  }
0x99: {  	[spmem:s3] =	stream.indirect.scatter.add.f32 [tilespmem:s23], [sflag:$0x3], $0x80, s22, s19, $0xb8;
	[tilespmem:$0x1BE00] =	vst v63  }
0x9a: {  	_ =	swait.ge [sflag:s18], $0x4000  }
0x9b: {  	s26 =	sadd.s32 $0x1, s26;
	[sflag:s18] =	ssyncset.done $0x0  }
0x9c: {  	p0 =	sne.s32 s26, s10;
	[sflag:s18] =	ssyncadd.s32 $0xFFFFC000  }
.Ltmp1:
0x9d: {  	[bflag:$0x0] =	sbarrier.arrive $0xFFFF;
	(pc) =	sbr.rel @p0 .LBB2_1-.Ltmp1, $4  }
0x9e: {  	[hbm:s9], [sflag:s6] =	dma.local [spmem:s17], $0x2780  }
0x9f: {  	_ =	swait.ge [sflag:s18], $0x2780  }
0xa0: {  	[sflag:s18] =	ssyncset.done $0x0  }
0xa1: {  	[sflag:s18] =	ssyncadd.s32 $0xFFFFD880  }
0xa2: {  	_ =	sfence.sel $0x180000  }
0xa3: {  	[bflag:$0x0] =	sbarrier.arrive $0xFFFF  }
0xa4: {  	_ =	strace $0x90000047  }
0xa5: {  	[bflag:$0x2] =	sbarrier.arrive $0xFFFF  }
0xa6: {  	p0 =	sne.s32 s4, $0x0;
	s0 =	rddreg [dreg:$0x6]  }
0xa7: {  	s0 =	sadd.s32 @!p0 $0x100000, s0  }
0xa8: {  	[sflag:s0] =	ssyncadd.tile.s32 @!p0 $0x1;
	_ =	shalt  }
.Lfunc_end2:
_tile_overlayer_lowered:
.L_overlay_start_2:
0xa9: {  	(tag) =	ssettag $0x2  }
0xaa: {  	s0 =	rddreg [dreg:$0x0];
	s2 =	stileid.u32  }
0xab: {  	s1 =	rddreg [dreg:$0x1];
	p0 =	sne.s32 s2, $0x0  }
0xac: {  	s3 =	rddreg [dreg:$0x2];
	[bflag:$0x3] =	sbarrier.arrive $0xFFFF;
	s2 =	simm.s32 @!p0 $0x1C03  }
0xad: {  	[timem:s3], [sflag:s2] =	dma.local @!p0 [hbm:s0], s1  }
0xae: {  	s0 =	simm.s32 @!p0 $0x3  }
0xaf: {  	_ =	swait.ge @!p0 [sflag:s0], s1  }
0xb0: {  	s1 =	ssub.s32 @!p0 $0x0, s1;
	[sflag:s0] =	ssyncset.done @!p0 $0x0  }
0xb1: {  	[sflag:s0] =	ssyncadd.s32 @!p0 s1  }
0xb2: {  	[bflag:$0x3] =	sbarrier.arrive $0xFFFF  }
0xb3: {  	_ =	shalt  }

</sc_bundles>
